<compile_context>
chip_gen: v7x
topology: tpu7x:2x2x1
jax: 0.10.2.dev20260603
libtpu: 0.0.44.dev20260713+nightly
codegen_flags: <defaults>
</compile_context>

<pallas_src>
import functools

import jax
import jax.numpy as jnp
from jax import lax
from jax.experimental import pallas as pl
from jax.experimental.pallas import tpu as pltpu
from jax.experimental.pallas import tpu_sc as plsc

E = 8
B = 2048
LATENT = 128
HIDDEN = 512
RES = (3, 32, 32)
OUT = RES[0] * RES[1] * RES[2]

BLK = 256
NB = B // BLK + E
R = NB * BLK
NW = 32
UCH = 16
UK = B // (NW * UCH)


def _wid():
    return lax.axis_index("s") * 2 + lax.axis_index("c")


@functools.lru_cache(maxsize=1)
def _sc_kernels():
    mesh = plsc.VectorSubcoreMesh(core_axis_name="c", subcore_axis_name="s")

    @functools.partial(
        pl.kernel,
        mesh=mesh,
        out_type=jax.ShapeDtypeStruct((B, OUT), jnp.float32),
        scratch_types=[
            pltpu.VMEM((UCH * UK,), jnp.int32),
            pltpu.VMEM((UCH, OUT), jnp.float32),
            pltpu.VMEM((UCH, OUT), jnp.float32),
            pltpu.SemaphoreType.DMA,
            pltpu.SemaphoreType.DMA,
        ],
    )
    def sc_unsort(y_hbm, pos_hbm, out_hbm, idx_v, buf0, buf1, sem0, sem1):
        base = _wid() * (UCH * UK)
        pltpu.sync_copy(pos_hbm.at[pl.ds(base, UCH * UK)], idx_v)
        bufs = (buf0, buf1)
        sems = (sem0, sem1)
        cps = [None, None]
        for k in range(UK):
            cps[k % 2] = pltpu.async_copy(
                y_hbm.at[idx_v.at[pl.ds(k * UCH, UCH)]], bufs[k % 2],
                sems[k % 2])
            if k > 0:
                cps[(k - 1) % 2].wait()
                pltpu.sync_copy(
                    bufs[(k - 1) % 2],
                    out_hbm.at[pl.ds(base + (k - 1) * UCH, UCH)])
        cps[(UK - 1) % 2].wait()
        pltpu.sync_copy(bufs[(UK - 1) % 2],
                        out_hbm.at[pl.ds(base + (UK - 1) * UCH, UCH)])

    return sc_unsort


def _mm_body(be_ref, pos_ref, x_ref, w1_ref, b1_ref, w2_ref, b2_ref, w3_ref,
             b3_ref, o_ref):
    j = pl.program_id(0)

    @pl.when(j < be_ref[NB])
    def _():
        sel = (lax.broadcasted_iota(jnp.int32, (BLK, B), 0)
               == pos_ref[0] - j * BLK)
        x = jnp.dot(sel.astype(jnp.float32), x_ref[...],
                    preferred_element_type=jnp.float32)
        h = jnp.maximum(
            jnp.dot(x, w1_ref[0], preferred_element_type=jnp.float32)
            + b1_ref[0, 0], 0.0)
        h = jnp.maximum(
            jnp.dot(h, w2_ref[0], preferred_element_type=jnp.float32)
            + b2_ref[0, 0], 0.0)
        o = (jnp.dot(h, w3_ref[0], preferred_element_type=jnp.float32)
             + b3_ref[0, 0])
        o_ref[...] = jax.nn.sigmoid(o)


_mm_grid_spec = pltpu.PrefetchScalarGridSpec(
    num_scalar_prefetch=1,
    grid=(NB,),
    in_specs=[
        pl.BlockSpec((1, 1, B), lambda j, be: (0, 0, 0)),
        pl.BlockSpec((B, LATENT), lambda j, be: (0, 0)),
        pl.BlockSpec((1, LATENT, HIDDEN), lambda j, be: (be[j], 0, 0)),
        pl.BlockSpec((1, 1, HIDDEN), lambda j, be: (be[j], 0, 0)),
        pl.BlockSpec((1, HIDDEN, HIDDEN), lambda j, be: (be[j], 0, 0)),
        pl.BlockSpec((1, 1, HIDDEN), lambda j, be: (be[j], 0, 0)),
        pl.BlockSpec((1, HIDDEN, OUT), lambda j, be: (be[j], 0, 0)),
        pl.BlockSpec((1, 1, OUT), lambda j, be: (be[j], 0, 0)),
    ],
    out_specs=pl.BlockSpec((BLK, OUT), lambda j, be: (j, 0)),
)

_mm_call = pl.pallas_call(
    _mm_body,
    grid_spec=_mm_grid_spec,
    out_shape=jax.ShapeDtypeStruct((R, OUT), jnp.float32),
)


def _route(code):
    code = code.astype(jnp.int32)
    ohT = (jnp.arange(E, dtype=jnp.int32)[:, None] == code[None, :]).astype(
        jnp.int32)
    counts = jnp.sum(ohT, axis=1)
    rank = jnp.sum(ohT * (jnp.cumsum(ohT, axis=1) - 1), axis=0)
    nblk = (counts + BLK - 1) // BLK
    bstart = jnp.cumsum(nblk) - nblk
    total = jnp.sum(nblk)
    j = jnp.arange(NB, dtype=jnp.int32)
    e_all = jnp.sum(
        (j[:, None] >= bstart[None, :]).astype(jnp.int32), axis=1) - 1
    last_e = e_all[jnp.clip(total - 1, 0, NB - 1)]
    be = jnp.where(j < total, e_all, last_e).astype(jnp.int32)
    be = jnp.concatenate([be, total[None].astype(jnp.int32)])
    pos = (jnp.sum(ohT * bstart[:, None], axis=0) * BLK + rank).astype(
        jnp.int32)
    return be, pos


def kernel(input, code, W1, b1, W2, b2, W3, b3):
    sc_unsort = _sc_kernels()
    be, pos = _route(code)
    y = _mm_call(be, pos.reshape(1, 1, B), input,
                 W1, b1.reshape(E, 1, HIDDEN), W2,
                 b2.reshape(E, 1, HIDDEN), W3, b3.reshape(E, 1, OUT))
    out = sc_unsort(y, pos)
    return out.reshape((B,) + RES)

# --- scband reference (transcript-rebuilt; emitter-appended) ---
"""Pipeline reference for scband-selective-decoder-6622839570576 (READ-ONLY COPY).

The authoritative reference and input builder live on the scoring server;
editing this copy changes nothing except your own understanding.
"""

import jax, jax.numpy as jnp
import numpy as np

E = 8            # number of class decoders
B = 2048         # batch
LATENT = 128     # latent code dim
HIDDEN = 512     # decoder hidden dim
RES = (3, 32, 32)
OUT = RES[0] * RES[1] * RES[2]


def setup_inputs(seed: int = 0) -> dict:
    key = jax.random.key(seed)
    ks = jax.random.split(key, 8)
    inp = {}
    inp["input"] = jax.random.normal(ks[0], (B, LATENT), dtype=jnp.float32)
    inp["code"] = jax.random.randint(ks[1], (B,), 0, E, dtype=jnp.int32)
    # Stacked per-class decoder parameters (LearnedDecoder surrogate: 3-layer MLP)
    inp["W1"] = jax.random.normal(ks[2], (E, LATENT, HIDDEN), dtype=jnp.float32) * 0.05
    inp["b1"] = jnp.zeros((E, HIDDEN), dtype=jnp.float32)
    inp["W2"] = jax.random.normal(ks[3], (E, HIDDEN, HIDDEN), dtype=jnp.float32) * 0.05
    inp["b2"] = jnp.zeros((E, HIDDEN), dtype=jnp.float32)
    inp["W3"] = jax.random.normal(ks[4], (E, HIDDEN, OUT), dtype=jnp.float32) * 0.05
    inp["b3"] = jnp.zeros((E, OUT), dtype=jnp.float32)
    return inp


def _decoder_forward(x, W1c, b1c, W2c, b2c, W3c, b3c):
    h = jnp.maximum(x @ W1c + b1c, 0.0)
    h = jnp.maximum(h @ W2c + b2c, 0.0)
    o = jax.nn.sigmoid(h @ W3c + b3c)
    return o.reshape((-1,) + RES)


def reference(input, code, W1, b1, W2, b2, W3, b3):
    # SelectiveDecoder.forward: route each sample to its class decoder,
    # scatter decoder outputs into an output image tensor.
    # Implemented densely (mask-and-sum) so shapes are static; math is
    # identical to the boolean-mask scatter in the torch code.
    output = jnp.zeros((input.shape[0],) + RES, dtype=jnp.float32)
    for c in range(E):
        o = _decoder_forward(input, W1[c], b1[c], W2[c], b2[c], W3[c], b3[c])
        mask = (code == c).astype(output.dtype)[:, None, None, None]
        output = output + mask * o
    return output

if __name__ == "__main__":
    import jax
    _d = setup_inputs()
    print(jax.jit(kernel)(*tuple(_d.values())))

</pallas_src>

<mosaic_0001>
#map = affine_map<(d0, d1) -> (0, 0)>
#map1 = affine_map<(d0, d1) -> (0)>
module attributes {stable_mosaic.version = 14 : i64} {
  func.func @sc_unsort(%arg0: i32, %arg1: i32, %arg2: memref<4096x3072xf32, #tpu.memory_space<hbm>>, %arg3: memref<2048xi32, #tpu.memory_space<hbm>>, %arg4: memref<2048x3072xf32, #tpu.memory_space<hbm>>, %arg5: memref<64xi32, #tpu.memory_space<vmem>>, %arg6: memref<16x3072xf32, #tpu.memory_space<vmem>>, %arg7: memref<16x3072xf32, #tpu.memory_space<vmem>>, %arg8: memref<!tpu.dma_semaphore, #tpu.memory_space<semaphore_mem>>, %arg9: memref<!tpu.dma_semaphore, #tpu.memory_space<semaphore_mem>>) attributes {dimension_semantics = [#tpu.dimension_semantics<core_parallel>, #tpu.dimension_semantics<subcore_parallel>], iteration_bounds = array<i64: 2, 16>, scalar_prefetch = 0 : i64, scratch_operands = 5 : i64, tpu.core_type = #tpu.core_type<sc_vector_subcore>, window_params = [{transform_indices = #map}, {transform_indices = #map1}, {transform_indices = #map}]} {
    %mul3A = arith.constant 2 : i32
    %mul3A_0 = arith.muli %arg1, %mul3A : i32
    %add3A = arith.addi %mul3A_0, %arg0 : i32
    %mul3A_1 = arith.constant 64 : i32
    %mul3A_2 = arith.muli %add3A, %mul3A_1 : i32
    "tpu.region"() ({
      %run_scoped3A = tpu.sem_alloc : memref<!tpu.dma_semaphore, #tpu.memory_space<semaphore_mem>>
      %dma_start3A_49 = tpu.memref_slice %arg3[%mul3A_2] : memref<2048xi32, #tpu.memory_space<hbm>> -> memref<64xi32, #tpu.memory_space<hbm>>
      %dma_start3A_50 = tpu.memref_slice %arg3[%mul3A_2] : memref<2048xi32, #tpu.memory_space<hbm>> -> memref<64xi32, #tpu.memory_space<hbm>>
      tpu.enqueue_dma source(%dma_start3A_50 : memref<64xi32, #tpu.memory_space<hbm>>) target(%arg5 : memref<64xi32, #tpu.memory_space<vmem>>) target_semaphore(%run_scoped3A : memref<!tpu.dma_semaphore, #tpu.memory_space<semaphore_mem>>)
      %dma_wait3A_51 = tpu.memref_slice %arg3[%mul3A_2] : memref<2048xi32, #tpu.memory_space<hbm>> -> memref<64xi32, #tpu.memory_space<hbm>>
      %dma_wait3A_52 = tpu.memref_slice %arg3[%mul3A_2] : memref<2048xi32, #tpu.memory_space<hbm>> -> memref<64xi32, #tpu.memory_space<hbm>>
      tpu.wait_dma2 semaphore(%run_scoped3A : memref<!tpu.dma_semaphore, #tpu.memory_space<semaphore_mem>>) src(%dma_wait3A_52 : memref<64xi32, #tpu.memory_space<hbm>>) dst(%arg5 : memref<64xi32, #tpu.memory_space<vmem>>)
      tpu.yield
    }) : () -> ()
    %dma_start3A = arith.constant 0 : i32
    %dma_start3A_3 = tpu.memref_slice %arg5[%dma_start3A] : memref<64xi32, #tpu.memory_space<vmem>> -> memref<16xi32, #tpu.memory_space<vmem>>
    %dma_start3A_4 = arith.constant 0 : i32
    %dma_start3A_5 = arith.constant 0 : i32
    %dma_start3A_6 = tpu.memref_slice %arg2[%dma_start3A_4, %dma_start3A_5] : memref<4096x3072xf32, #tpu.memory_space<hbm>> -> memref<4096x3072xf32, #tpu.memory_space<hbm>>
    tpu.enqueue_indirect_dma source(%dma_start3A_6 : memref<4096x3072xf32, #tpu.memory_space<hbm>>) target(%arg6 : memref<16x3072xf32, #tpu.memory_space<vmem>>) offsets(%dma_start3A_3 : memref<16xi32, #tpu.memory_space<vmem>>) semaphore(%arg8 : memref<!tpu.dma_semaphore, #tpu.memory_space<semaphore_mem>>)
    %dma_start3A_7 = arith.constant 16 : i32
    %dma_start3A_8 = tpu.memref_slice %arg5[%dma_start3A_7] : memref<64xi32, #tpu.memory_space<vmem>> -> memref<16xi32, #tpu.memory_space<vmem>>
    %dma_start3A_9 = arith.constant 0 : i32
    %dma_start3A_10 = arith.constant 0 : i32
    %dma_start3A_11 = tpu.memref_slice %arg2[%dma_start3A_9, %dma_start3A_10] : memref<4096x3072xf32, #tpu.memory_space<hbm>> -> memref<4096x3072xf32, #tpu.memory_space<hbm>>
    tpu.enqueue_indirect_dma source(%dma_start3A_11 : memref<4096x3072xf32, #tpu.memory_space<hbm>>) target(%arg7 : memref<16x3072xf32, #tpu.memory_space<vmem>>) offsets(%dma_start3A_8 : memref<16xi32, #tpu.memory_space<vmem>>) semaphore(%arg9 : memref<!tpu.dma_semaphore, #tpu.memory_space<semaphore_mem>>)
    %dma_wait3A = arith.constant 0 : i32
    %dma_wait3A_12 = tpu.memref_slice %arg5[%dma_wait3A] : memref<64xi32, #tpu.memory_space<vmem>> -> memref<16xi32, #tpu.memory_space<vmem>>
    %dma_wait3A_13 = arith.constant 0 : i32
    %dma_wait3A_14 = arith.constant 0 : i32
    %dma_wait3A_15 = tpu.memref_slice %arg2[%dma_wait3A_13, %dma_wait3A_14] : memref<4096x3072xf32, #tpu.memory_space<hbm>> -> memref<4096x3072xf32, #tpu.memory_space<hbm>>
    tpu.wait_indirect_dma semaphore(%arg8 : memref<!tpu.dma_semaphore, #tpu.memory_space<semaphore_mem>>) src(%dma_wait3A_15 : memref<4096x3072xf32, #tpu.memory_space<hbm>>) dst(%arg6 : memref<16x3072xf32, #tpu.memory_space<vmem>>)
    %add3A_16 = arith.constant 0 : i32
    %add3A_17 = arith.addi %mul3A_2, %add3A_16 : i32
    "tpu.region"() ({
      %run_scoped3A = tpu.sem_alloc : memref<!tpu.dma_semaphore, #tpu.memory_space<semaphore_mem>>
      %dma_start3A_49 = arith.constant 0 : i32
      %dma_start3A_50 = tpu.memref_slice %arg4[%add3A_17, %dma_start3A_49] : memref<2048x3072xf32, #tpu.memory_space<hbm>> -> memref<16x3072xf32, #tpu.memory_space<hbm>>
      %dma_start3A_51 = arith.constant 0 : i32
      %dma_start3A_52 = tpu.memref_slice %arg4[%add3A_17, %dma_start3A_51] : memref<2048x3072xf32, #tpu.memory_space<hbm>> -> memref<16x3072xf32, #tpu.memory_space<hbm>>
      tpu.enqueue_dma source(%arg6 : memref<16x3072xf32, #tpu.memory_space<vmem>>) target(%dma_start3A_52 : memref<16x3072xf32, #tpu.memory_space<hbm>>) target_semaphore(%run_scoped3A : memref<!tpu.dma_semaphore, #tpu.memory_space<semaphore_mem>>)
      %dma_wait3A_53 = arith.constant 0 : i32
      %dma_wait3A_54 = tpu.memref_slice %arg4[%add3A_17, %dma_wait3A_53] : memref<2048x3072xf32, #tpu.memory_space<hbm>> -> memref<16x3072xf32, #tpu.memory_space<hbm>>
      %dma_wait3A_55 = arith.constant 0 : i32
      %dma_wait3A_56 = tpu.memref_slice %arg4[%add3A_17, %dma_wait3A_55] : memref<2048x3072xf32, #tpu.memory_space<hbm>> -> memref<16x3072xf32, #tpu.memory_space<hbm>>
      tpu.wait_dma2 semaphore(%run_scoped3A : memref<!tpu.dma_semaphore, #tpu.memory_space<semaphore_mem>>) src(%arg6 : memref<16x3072xf32, #tpu.memory_space<vmem>>) dst(%dma_wait3A_56 : memref<16x3072xf32, #tpu.memory_space<hbm>>)
      tpu.yield
    }) : () -> ()
    %dma_start3A_18 = arith.constant 32 : i32
    %dma_start3A_19 = tpu.memref_slice %arg5[%dma_start3A_18] : memref<64xi32, #tpu.memory_space<vmem>> -> memref<16xi32, #tpu.memory_space<vmem>>
    %dma_start3A_20 = arith.constant 0 : i32
    %dma_start3A_21 = arith.constant 0 : i32
    %dma_start3A_22 = tpu.memref_slice %arg2[%dma_start3A_20, %dma_start3A_21] : memref<4096x3072xf32, #tpu.memory_space<hbm>> -> memref<4096x3072xf32, #tpu.memory_space<hbm>>
    tpu.enqueue_indirect_dma source(%dma_start3A_22 : memref<4096x3072xf32, #tpu.memory_space<hbm>>) target(%arg6 : memref<16x3072xf32, #tpu.memory_space<vmem>>) offsets(%dma_start3A_19 : memref<16xi32, #tpu.memory_space<vmem>>) semaphore(%arg8 : memref<!tpu.dma_semaphore, #tpu.memory_space<semaphore_mem>>)
    %dma_wait3A_23 = arith.constant 16 : i32
    %dma_wait3A_24 = tpu.memref_slice %arg5[%dma_wait3A_23] : memref<64xi32, #tpu.memory_space<vmem>> -> memref<16xi32, #tpu.memory_space<vmem>>
    %dma_wait3A_25 = arith.constant 0 : i32
    %dma_wait3A_26 = arith.constant 0 : i32
    %dma_wait3A_27 = tpu.memref_slice %arg2[%dma_wait3A_25, %dma_wait3A_26] : memref<4096x3072xf32, #tpu.memory_space<hbm>> -> memref<4096x3072xf32, #tpu.memory_space<hbm>>
    tpu.wait_indirect_dma semaphore(%arg9 : memref<!tpu.dma_semaphore, #tpu.memory_space<semaphore_mem>>) src(%dma_wait3A_27 : memref<4096x3072xf32, #tpu.memory_space<hbm>>) dst(%arg7 : memref<16x3072xf32, #tpu.memory_space<vmem>>)
    %add3A_28 = arith.constant 16 : i32
    %add3A_29 = arith.addi %mul3A_2, %add3A_28 : i32
    "tpu.region"() ({
      %run_scoped3A = tpu.sem_alloc : memref<!tpu.dma_semaphore, #tpu.memory_space<semaphore_mem>>
      %dma_start3A_49 = arith.constant 0 : i32
      %dma_start3A_50 = tpu.memref_slice %arg4[%add3A_29, %dma_start3A_49] : memref<2048x3072xf32, #tpu.memory_space<hbm>> -> memref<16x3072xf32, #tpu.memory_space<hbm>>
      %dma_start3A_51 = arith.constant 0 : i32
      %dma_start3A_52 = tpu.memref_slice %arg4[%add3A_29, %dma_start3A_51] : memref<2048x3072xf32, #tpu.memory_space<hbm>> -> memref<16x3072xf32, #tpu.memory_space<hbm>>
      tpu.enqueue_dma source(%arg7 : memref<16x3072xf32, #tpu.memory_space<vmem>>) target(%dma_start3A_52 : memref<16x3072xf32, #tpu.memory_space<hbm>>) target_semaphore(%run_scoped3A : memref<!tpu.dma_semaphore, #tpu.memory_space<semaphore_mem>>)
      %dma_wait3A_53 = arith.constant 0 : i32
      %dma_wait3A_54 = tpu.memref_slice %arg4[%add3A_29, %dma_wait3A_53] : memref<2048x3072xf32, #tpu.memory_space<hbm>> -> memref<16x3072xf32, #tpu.memory_space<hbm>>
      %dma_wait3A_55 = arith.constant 0 : i32
      %dma_wait3A_56 = tpu.memref_slice %arg4[%add3A_29, %dma_wait3A_55] : memref<2048x3072xf32, #tpu.memory_space<hbm>> -> memref<16x3072xf32, #tpu.memory_space<hbm>>
      tpu.wait_dma2 semaphore(%run_scoped3A : memref<!tpu.dma_semaphore, #tpu.memory_space<semaphore_mem>>) src(%arg7 : memref<16x3072xf32, #tpu.memory_space<vmem>>) dst(%dma_wait3A_56 : memref<16x3072xf32, #tpu.memory_space<hbm>>)
      tpu.yield
    }) : () -> ()
    %dma_start3A_30 = arith.constant 48 : i32
    %dma_start3A_31 = tpu.memref_slice %arg5[%dma_start3A_30] : memref<64xi32, #tpu.memory_space<vmem>> -> memref<16xi32, #tpu.memory_space<vmem>>
    %dma_start3A_32 = arith.constant 0 : i32
    %dma_start3A_33 = arith.constant 0 : i32
    %dma_start3A_34 = tpu.memref_slice %arg2[%dma_start3A_32, %dma_start3A_33] : memref<4096x3072xf32, #tpu.memory_space<hbm>> -> memref<4096x3072xf32, #tpu.memory_space<hbm>>
    tpu.enqueue_indirect_dma source(%dma_start3A_34 : memref<4096x3072xf32, #tpu.memory_space<hbm>>) target(%arg7 : memref<16x3072xf32, #tpu.memory_space<vmem>>) offsets(%dma_start3A_31 : memref<16xi32, #tpu.memory_space<vmem>>) semaphore(%arg9 : memref<!tpu.dma_semaphore, #tpu.memory_space<semaphore_mem>>)
    %dma_wait3A_35 = arith.constant 32 : i32
    %dma_wait3A_36 = tpu.memref_slice %arg5[%dma_wait3A_35] : memref<64xi32, #tpu.memory_space<vmem>> -> memref<16xi32, #tpu.memory_space<vmem>>
    %dma_wait3A_37 = arith.constant 0 : i32
    %dma_wait3A_38 = arith.constant 0 : i32
    %dma_wait3A_39 = tpu.memref_slice %arg2[%dma_wait3A_37, %dma_wait3A_38] : memref<4096x3072xf32, #tpu.memory_space<hbm>> -> memref<4096x3072xf32, #tpu.memory_space<hbm>>
    tpu.wait_indirect_dma semaphore(%arg8 : memref<!tpu.dma_semaphore, #tpu.memory_space<semaphore_mem>>) src(%dma_wait3A_39 : memref<4096x3072xf32, #tpu.memory_space<hbm>>) dst(%arg6 : memref<16x3072xf32, #tpu.memory_space<vmem>>)
    %add3A_40 = arith.constant 32 : i32
    %add3A_41 = arith.addi %mul3A_2, %add3A_40 : i32
    "tpu.region"() ({
      %run_scoped3A = tpu.sem_alloc : memref<!tpu.dma_semaphore, #tpu.memory_space<semaphore_mem>>
      %dma_start3A_49 = arith.constant 0 : i32
      %dma_start3A_50 = tpu.memref_slice %arg4[%add3A_41, %dma_start3A_49] : memref<2048x3072xf32, #tpu.memory_space<hbm>> -> memref<16x3072xf32, #tpu.memory_space<hbm>>
      %dma_start3A_51 = arith.constant 0 : i32
      %dma_start3A_52 = tpu.memref_slice %arg4[%add3A_41, %dma_start3A_51] : memref<2048x3072xf32, #tpu.memory_space<hbm>> -> memref<16x3072xf32, #tpu.memory_space<hbm>>
      tpu.enqueue_dma source(%arg6 : memref<16x3072xf32, #tpu.memory_space<vmem>>) target(%dma_start3A_52 : memref<16x3072xf32, #tpu.memory_space<hbm>>) target_semaphore(%run_scoped3A : memref<!tpu.dma_semaphore, #tpu.memory_space<semaphore_mem>>)
      %dma_wait3A_53 = arith.constant 0 : i32
      %dma_wait3A_54 = tpu.memref_slice %arg4[%add3A_41, %dma_wait3A_53] : memref<2048x3072xf32, #tpu.memory_space<hbm>> -> memref<16x3072xf32, #tpu.memory_space<hbm>>
      %dma_wait3A_55 = arith.constant 0 : i32
      %dma_wait3A_56 = tpu.memref_slice %arg4[%add3A_41, %dma_wait3A_55] : memref<2048x3072xf32, #tpu.memory_space<hbm>> -> memref<16x3072xf32, #tpu.memory_space<hbm>>
      tpu.wait_dma2 semaphore(%run_scoped3A : memref<!tpu.dma_semaphore, #tpu.memory_space<semaphore_mem>>) src(%arg6 : memref<16x3072xf32, #tpu.memory_space<vmem>>) dst(%dma_wait3A_56 : memref<16x3072xf32, #tpu.memory_space<hbm>>)
      tpu.yield
    }) : () -> ()
    %dma_wait3A_42 = arith.constant 48 : i32
    %dma_wait3A_43 = tpu.memref_slice %arg5[%dma_wait3A_42] : memref<64xi32, #tpu.memory_space<vmem>> -> memref<16xi32, #tpu.memory_space<vmem>>
    %dma_wait3A_44 = arith.constant 0 : i32
    %dma_wait3A_45 = arith.constant 0 : i32
    %dma_wait3A_46 = tpu.memref_slice %arg2[%dma_wait3A_44, %dma_wait3A_45] : memref<4096x3072xf32, #tpu.memory_space<hbm>> -> memref<4096x3072xf32, #tpu.memory_space<hbm>>
    tpu.wait_indirect_dma semaphore(%arg9 : memref<!tpu.dma_semaphore, #tpu.memory_space<semaphore_mem>>) src(%dma_wait3A_46 : memref<4096x3072xf32, #tpu.memory_space<hbm>>) dst(%arg7 : memref<16x3072xf32, #tpu.memory_space<vmem>>)
    %add3A_47 = arith.constant 48 : i32
    %add3A_48 = arith.addi %mul3A_2, %add3A_47 : i32
    "tpu.region"() ({
      %run_scoped3A = tpu.sem_alloc : memref<!tpu.dma_semaphore, #tpu.memory_space<semaphore_mem>>
      %dma_start3A_49 = arith.constant 0 : i32
      %dma_start3A_50 = tpu.memref_slice %arg4[%add3A_48, %dma_start3A_49] : memref<2048x3072xf32, #tpu.memory_space<hbm>> -> memref<16x3072xf32, #tpu.memory_space<hbm>>
      %dma_start3A_51 = arith.constant 0 : i32
      %dma_start3A_52 = tpu.memref_slice %arg4[%add3A_48, %dma_start3A_51] : memref<2048x3072xf32, #tpu.memory_space<hbm>> -> memref<16x3072xf32, #tpu.memory_space<hbm>>
      tpu.enqueue_dma source(%arg7 : memref<16x3072xf32, #tpu.memory_space<vmem>>) target(%dma_start3A_52 : memref<16x3072xf32, #tpu.memory_space<hbm>>) target_semaphore(%run_scoped3A : memref<!tpu.dma_semaphore, #tpu.memory_space<semaphore_mem>>)
      %dma_wait3A_53 = arith.constant 0 : i32
      %dma_wait3A_54 = tpu.memref_slice %arg4[%add3A_48, %dma_wait3A_53] : memref<2048x3072xf32, #tpu.memory_space<hbm>> -> memref<16x3072xf32, #tpu.memory_space<hbm>>
      %dma_wait3A_55 = arith.constant 0 : i32
      %dma_wait3A_56 = tpu.memref_slice %arg4[%add3A_48, %dma_wait3A_55] : memref<2048x3072xf32, #tpu.memory_space<hbm>> -> memref<16x3072xf32, #tpu.memory_space<hbm>>
      tpu.wait_dma2 semaphore(%run_scoped3A : memref<!tpu.dma_semaphore, #tpu.memory_space<semaphore_mem>>) src(%arg7 : memref<16x3072xf32, #tpu.memory_space<vmem>>) dst(%dma_wait3A_56 : memref<16x3072xf32, #tpu.memory_space<hbm>>)
      tpu.yield
    }) : () -> ()
    return
  }
}

module attributes {stable_mosaic.version = 14 : i64} {
  func.func @_mm_body(%arg0: i32, %arg1: memref<17xi32, #tpu.memory_space<smem>>, %arg2: memref<1x1x2048xi32, #tpu.memory_space<vmem>>, %arg3: memref<2048x128xf32, #tpu.memory_space<vmem>>, %arg4: memref<1x128x512xf32, #tpu.memory_space<vmem>>, %arg5: memref<1x1x512xf32, #tpu.memory_space<vmem>>, %arg6: memref<1x512x512xf32, #tpu.memory_space<vmem>>, %arg7: memref<1x1x512xf32, #tpu.memory_space<vmem>>, %arg8: memref<1x512x3072xf32, #tpu.memory_space<vmem>>, %arg9: memref<1x1x3072xf32, #tpu.memory_space<vmem>>, %arg10: memref<256x3072xf32, #tpu.memory_space<vmem>>) attributes {dimension_semantics = [#tpu.dimension_semantics<arbitrary>], iteration_bounds = array<i64: 16>, scalar_prefetch = 1 : i64, scratch_operands = 0 : i64, tpu.core_type = #tpu.core_type<tc>, window_params = [{pipeline_mode = #tpu.pipeline_mode<synchronous>, transform_indices = @transform_0, window_bounds = array<i64: 1, 1, 2048>}, {pipeline_mode = #tpu.pipeline_mode<synchronous>, transform_indices = @transform_1, window_bounds = array<i64: 2048, 128>}, {transform_indices = @transform_2, window_bounds = array<i64: 1, 128, 512>}, {transform_indices = @transform_3, window_bounds = array<i64: 1, 1, 512>}, {transform_indices = @transform_4, window_bounds = array<i64: 1, 512, 512>}, {transform_indices = @transform_5, window_bounds = array<i64: 1, 1, 512>}, {transform_indices = @transform_6, window_bounds = array<i64: 1, 512, 3072>}, {transform_indices = @transform_7, window_bounds = array<i64: 1, 1, 3072>}, {transform_indices = @transform_8, window_bounds = array<i64: 256, 3072>}]} {
    %get3A = arith.constant 16 : index
    %get3A_0 = memref.load %arg1[%get3A] : memref<17xi32, #tpu.memory_space<smem>>
    %lt3A = arith.cmpi slt, %arg0, %get3A_0 : i32
    %convert_element_type3A = arith.extui %lt3A : i1 to i32
    %cond3A = arith.constant 0 : i32
    %cond3A_1 = arith.cmpi ne, %convert_element_type3A, %cond3A : i32
    scf.if %cond3A_1 {
      %iota3A = tpu.iota {dimensions = array<i32: 0>} : vector<256x2048xi32>
      %get3A_2 = arith.constant 0 : index
      %get3A_3 = arith.constant 0 : index
      %get3A_4 = arith.constant 0 : index
      %get3A_5 = vector.load %arg2[%get3A_2, %get3A_3, %get3A_4] : memref<1x1x2048xi32, #tpu.memory_space<vmem>>, vector<1x1x2048xi32>
      %get3A_6 = vector.shape_cast %get3A_5 : vector<1x1x2048xi32> to vector<1x2048xi32>
      %mul3A = arith.constant 256 : i32
      %mul3A_7 = arith.muli %arg0, %mul3A : i32
      %sub3A = vector.broadcast %mul3A_7 : i32 to vector<1x2048xi32>
      %sub3A_8 = arith.subi %get3A_6, %sub3A : vector<1x2048xi32>
      %eq3A = vector.broadcast %sub3A_8 : vector<1x2048xi32> to vector<256x2048xi32>
      %eq3A_9 = arith.cmpi eq, %iota3A, %eq3A : vector<256x2048xi32>
      %convert_element_type3A_10 = arith.extui %eq3A_9 : vector<256x2048xi1> to vector<256x2048xi32>
      %convert_element_type3A_11 = arith.sitofp %convert_element_type3A_10 : vector<256x2048xi32> to vector<256x2048xf32>
      %get3A_12 = arith.constant 0 : index
      %get3A_13 = arith.constant 0 : index
      %get3A_14 = vector.load %arg3[%get3A_12, %get3A_13] : memref<2048x128xf32, #tpu.memory_space<vmem>>, vector<2048x128xf32>
      %dot_general3A = arith.constant dense<0.000000e+00> : vector<256x128xf32>
      %dot_general3A_15 = tpu.matmul %convert_element_type3A_11, %get3A_14, %dot_general3A {dimension_numbers = #tpu.dot_dimension_numbers<[1], [0], [0], [1], [0, 0, 1, 1], [], []>, transpose_lhs_hint = false} : vector<256x2048xf32>, vector<2048x128xf32>, vector<256x128xf32> -> vector<256x128xf32>
      %get3A_16 = arith.constant 0 : index
      %get3A_17 = arith.constant 0 : index
      %get3A_18 = arith.constant 0 : index
      %get3A_19 = vector.load %arg4[%get3A_16, %get3A_17, %get3A_18] : memref<1x128x512xf32, #tpu.memory_space<vmem>>, vector<1x128x512xf32>
      %get3A_20 = vector.shape_cast %get3A_19 : vector<1x128x512xf32> to vector<128x512xf32>
      %dot_general3A_21 = arith.constant dense<0.000000e+00> : vector<256x512xf32>
      %dot_general3A_22 = tpu.matmul %dot_general3A_15, %get3A_20, %dot_general3A_21 {dimension_numbers = #tpu.dot_dimension_numbers<[1], [0], [0], [1], [0, 0, 1, 1], [], []>, transpose_lhs_hint = false} : vector<256x128xf32>, vector<128x512xf32>, vector<256x512xf32> -> vector<256x512xf32>
      %get3A_23 = arith.constant 0 : index
      %get3A_24 = arith.constant 0 : index
      %get3A_25 = arith.constant 0 : index
      %get3A_26 = vector.load %arg5[%get3A_23, %get3A_24, %get3A_25] : memref<1x1x512xf32, #tpu.memory_space<vmem>>, vector<1x1x512xf32>
      %get3A_27 = vector.shape_cast %get3A_26 : vector<1x1x512xf32> to vector<512xf32>
      %broadcast_in_dim3A = vector.shape_cast %get3A_27 : vector<512xf32> to vector<1x512xf32>
      %add3A = vector.broadcast %broadcast_in_dim3A : vector<1x512xf32> to vector<256x512xf32>
      %add3A_28 = arith.addf %dot_general3A_22, %add3A : vector<256x512xf32>
      %max3A = arith.constant 0.000000e+00 : f32
      %max3A_29 = vector.broadcast %max3A : f32 to vector<256x512xf32>
      %max3A_30 = arith.maximumf %add3A_28, %max3A_29 : vector<256x512xf32>
      %get3A_31 = arith.constant 0 : index
      %get3A_32 = arith.constant 0 : index
      %get3A_33 = arith.constant 0 : index
      %get3A_34 = vector.load %arg6[%get3A_31, %get3A_32, %get3A_33] : memref<1x512x512xf32, #tpu.memory_space<vmem>>, vector<1x512x512xf32>
      %get3A_35 = vector.shape_cast %get3A_34 : vector<1x512x512xf32> to vector<512x512xf32>
      %dot_general3A_36 = arith.constant dense<0.000000e+00> : vector<256x512xf32>
      %dot_general3A_37 = tpu.matmul %max3A_30, %get3A_35, %dot_general3A_36 {dimension_numbers = #tpu.dot_dimension_numbers<[1], [0], [0], [1], [0, 0, 1, 1], [], []>, transpose_lhs_hint = false} : vector<256x512xf32>, vector<512x512xf32>, vector<256x512xf32> -> vector<256x512xf32>
      %get3A_38 = arith.constant 0 : index
      %get3A_39 = arith.constant 0 : index
      %get3A_40 = arith.constant 0 : index
      %get3A_41 = vector.load %arg7[%get3A_38, %get3A_39, %get3A_40] : memref<1x1x512xf32, #tpu.memory_space<vmem>>, vector<1x1x512xf32>
      %get3A_42 = vector.shape_cast %get3A_41 : vector<1x1x512xf32> to vector<512xf32>
      %broadcast_in_dim3A_43 = vector.shape_cast %get3A_42 : vector<512xf32> to vector<1x512xf32>
      %add3A_44 = vector.broadcast %broadcast_in_dim3A_43 : vector<1x512xf32> to vector<256x512xf32>
      %add3A_45 = arith.addf %dot_general3A_37, %add3A_44 : vector<256x512xf32>
      %max3A_46 = arith.constant 0.000000e+00 : f32
      %max3A_47 = vector.broadcast %max3A_46 : f32 to vector<256x512xf32>
      %max3A_48 = arith.maximumf %add3A_45, %max3A_47 : vector<256x512xf32>
      %get3A_49 = arith.constant 0 : index
      %get3A_50 = arith.constant 0 : index
      %get3A_51 = arith.constant 0 : index
      %get3A_52 = vector.load %arg8[%get3A_49, %get3A_50, %get3A_51] : memref<1x512x3072xf32, #tpu.memory_space<vmem>>, vector<1x512x3072xf32>
      %get3A_53 = vector.shape_cast %get3A_52 : vector<1x512x3072xf32> to vector<512x3072xf32>
      %dot_general3A_54 = arith.constant dense<0.000000e+00> : vector<256x3072xf32>
      %dot_general3A_55 = tpu.matmul %max3A_48, %get3A_53, %dot_general3A_54 {dimension_numbers = #tpu.dot_dimension_numbers<[1], [0], [0], [1], [0, 0, 1, 1], [], []>, transpose_lhs_hint = false} : vector<256x512xf32>, vector<512x3072xf32>, vector<256x3072xf32> -> vector<256x3072xf32>
      %get3A_56 = arith.constant 0 : index
      %get3A_57 = arith.constant 0 : index
      %get3A_58 = arith.constant 0 : index
      %get3A_59 = vector.load %arg9[%get3A_56, %get3A_57, %get3A_58] : memref<1x1x3072xf32, #tpu.memory_space<vmem>>, vector<1x1x3072xf32>
      %get3A_60 = vector.shape_cast %get3A_59 : vector<1x1x3072xf32> to vector<3072xf32>
      %broadcast_in_dim3A_61 = vector.shape_cast %get3A_60 : vector<3072xf32> to vector<1x3072xf32>
      %add3A_62 = vector.broadcast %broadcast_in_dim3A_61 : vector<1x3072xf32> to vector<256x3072xf32>
      %add3A_63 = arith.addf %dot_general3A_55, %add3A_62 : vector<256x3072xf32>
      %logistic3A = arith.negf %add3A_63 : vector<256x3072xf32>
      %logistic3A_64 = math.exp %logistic3A : vector<256x3072xf32>
      %logistic3A_65 = arith.constant 1.000000e+00 : f32
      %logistic3A_66 = vector.broadcast %logistic3A_65 : f32 to vector<256x3072xf32>
      %logistic3A_67 = arith.addf %logistic3A_66, %logistic3A_64 : vector<256x3072xf32>
      %logistic3A_68 = arith.divf %logistic3A_66, %logistic3A_67 : vector<256x3072xf32>
      %swap3A = arith.constant 0 : index
      %swap3A_69 = arith.constant 0 : index
      %swap3A_70 = vector.load %arg10[%swap3A, %swap3A_69] : memref<256x3072xf32, #tpu.memory_space<vmem>>, vector<256x3072xf32>
      tpu.vector_store %arg10[%swap3A, %swap3A_69], %logistic3A_68 {strides = array<i32>} : memref<256x3072xf32, #tpu.memory_space<vmem>>, vector<256x3072xf32>,
    } else {
    }
    return
  }
  func.func @transform_0(%arg0: i32, %arg1: memref<17xi32, #tpu.memory_space<smem>>) -> (i32, i32, i32) {
    %c0_i32 = arith.constant 0 : i32
    %c0_i32_0 = arith.constant 0 : i32
    %c0_i32_1 = arith.constant 0 : i32
    %c0_i32_2 = arith.constant 0 : i32
    return %c0_i32, %c0_i32_0, %c0_i32_1 : i32, i32, i32
  }
  func.func @transform_1(%arg0: i32, %arg1: memref<17xi32, #tpu.memory_space<smem>>) -> (i32, i32) {
    %c0_i32 = arith.constant 0 : i32
    %c0_i32_0 = arith.constant 0 : i32
    %c0_i32_1 = arith.constant 0 : i32
    return %c0_i32, %c0_i32_0 : i32, i32
  }
  func.func @transform_2(%arg0: i32, %arg1: memref<17xi32, #tpu.memory_space<smem>>) -> (i32, i32, i32) {
    %get3A = arith.index_cast %arg0 : i32 to index
    %get3A_0 = memref.load %arg1[%get3A] : memref<17xi32, #tpu.memory_space<smem>>
    %c0_i32 = arith.constant 0 : i32
    %c0_i32_1 = arith.constant 0 : i32
    %c0_i32_2 = arith.constant 0 : i32
    return %get3A_0, %c0_i32, %c0_i32_1 : i32, i32, i32
  }
  func.func @transform_3(%arg0: i32, %arg1: memref<17xi32, #tpu.memory_space<smem>>) -> (i32, i32, i32) {
    %get3A = arith.index_cast %arg0 : i32 to index
    %get3A_0 = memref.load %arg1[%get3A] : memref<17xi32, #tpu.memory_space<smem>>
    %c0_i32 = arith.constant 0 : i32
    %c0_i32_1 = arith.constant 0 : i32
    %c0_i32_2 = arith.constant 0 : i32
    return %get3A_0, %c0_i32, %c0_i32_1 : i32, i32, i32
  }
  func.func @transform_4(%arg0: i32, %arg1: memref<17xi32, #tpu.memory_space<smem>>) -> (i32, i32, i32) {
    %get3A = arith.index_cast %arg0 : i32 to index
    %get3A_0 = memref.load %arg1[%get3A] : memref<17xi32, #tpu.memory_space<smem>>
    %c0_i32 = arith.constant 0 : i32
    %c0_i32_1 = arith.constant 0 : i32
    %c0_i32_2 = arith.constant 0 : i32
    return %get3A_0, %c0_i32, %c0_i32_1 : i32, i32, i32
  }
  func.func @transform_5(%arg0: i32, %arg1: memref<17xi32, #tpu.memory_space<smem>>) -> (i32, i32, i32) {
    %get3A = arith.index_cast %arg0 : i32 to index
    %get3A_0 = memref.load %arg1[%get3A] : memref<17xi32, #tpu.memory_space<smem>>
    %c0_i32 = arith.constant 0 : i32
    %c0_i32_1 = arith.constant 0 : i32
    %c0_i32_2 = arith.constant 0 : i32
    return %get3A_0, %c0_i32, %c0_i32_1 : i32, i32, i32
  }
  func.func @transform_6(%arg0: i32, %arg1: memref<17xi32, #tpu.memory_space<smem>>) -> (i32, i32, i32) {
    %get3A = arith.index_cast %arg0 : i32 to index
    %get3A_0 = memref.load %arg1[%get3A] : memref<17xi32, #tpu.memory_space<smem>>
    %c0_i32 = arith.constant 0 : i32
    %c0_i32_1 = arith.constant 0 : i32
    %c0_i32_2 = arith.constant 0 : i32
    return %get3A_0, %c0_i32, %c0_i32_1 : i32, i32, i32
  }
  func.func @transform_7(%arg0: i32, %arg1: memref<17xi32, #tpu.memory_space<smem>>) -> (i32, i32, i32) {
    %get3A = arith.index_cast %arg0 : i32 to index
    %get3A_0 = memref.load %arg1[%get3A] : memref<17xi32, #tpu.memory_space<smem>>
    %c0_i32 = arith.constant 0 : i32
    %c0_i32_1 = arith.constant 0 : i32
    %c0_i32_2 = arith.constant 0 : i32
    return %get3A_0, %c0_i32, %c0_i32_1 : i32, i32, i32
  }
  func.func @transform_8(%arg0: i32, %arg1: memref<17xi32, #tpu.memory_space<smem>>) -> (i32, i32) {
    %c0_i32 = arith.constant 0 : i32
    %c0_i32_0 = arith.constant 0 : i32
    return %arg0, %c0_i32 : i32, i32
  }
}

</mosaic_0001>

<sc_bundles>
// kernel: kernel.4.cloned.1.call-start
scs
__scs_entry_jumppad:
0x0: {  	(pc) =	sbr.rel $0x88, $3  }
0x1: {  	(tag) =	ssettag $0x0;
	lr =	simm.s32 $0x1  }
0x2: {  	[smem:$0x3F99] =	sst lr;
	_ =	strace $0xD0000000  }
0x3: {  	_ = 	snop  }
0x4: {  	_ = 	snop  }
0x5: {  	_ = 	snop  }
0x6: {  	_ = 	snop  }
0x7: {  	_ = 	snop  }
__scs_overlays_trampoline_lowered:
0x8: {  	[smem:$0x3FA8] =	sst s0  }
0x9: {  	[smem:$0x3FA9] =	sst s1  }
0xa: {  	[smem:$0x3FAA] =	sst s2  }
0xb: {  	[smem:$0x3FAB] =	sst s3  }
0xc: {  	[smem:$0x3FAC] =	sst s4  }
0xd: {  	[smem:$0x3FAD] =	sst s5  }
0xe: {  	[smem:$0x3FAE] =	sst s6  }
0xf: {  	[smem:$0x3FAF] =	sst s7  }
0x10: {  	[smem:$0x3FB0] =	sst s8  }
0x11: {  	[smem:$0x3FB1] =	sst s9;
	s0 =	simm.s32 @!p0 $0x0  }
0x12: {  	s1 =	sld [smem:$0x3F97];
	s0 =	simm.s32 @p0 $0x1  }
0x13: {  	[smem:$0x3FB2] =	sst s0;
	s0 =	simm.s32 @!p1 $0x0  }
0x14: {  	s2 =	sld [smem:$0x3F96];
	s0 =	simm.s32 @p1 $0x1  }
0x15: {  	[smem:$0x3FB3] =	sst s0;
	s0 =	simm.s32 @!p2 $0x0  }
0x16: {  	s3 =	sld [smem:$0x3FDB];
	s0 =	simm.s32 @p2 $0x1  }
0x17: {  	s4 =	simm.s32 $0x1BF5;
	[smem:$0x3FB5] =	sst s0  }
0x18: {  	s0 =	sld [smem:$0x3F98];
	_ =	swait.ge [sflag:s4], $0x0  }
0x19: {  	s7 =	sld [smem:$0x3F99]  }
0x1a: {  	s8 =	sadd.s32 $0xFFFFE003, lr  }
0x1b: {  	s9 =	sadd.s32 $0xFFFFFEF7, lr;
	s5 =	simm.s32 $0xFFFFFFFF;
	p2 =	slt.u32 s8, $0xFFFFF086  }
0x1c: {  	p1 =	slt.u32 s9, $0xF7A;
	s5 =	simm.s32 @!p2 $0x0  }
0x1d: {  	s5 =	simm.s32 @p1 $0x1;
	p0 =	seq.s32 s7, s2  }
0x1e: {  	s7 =	smul.u32 @!p0 $0xF7A, s2;
	p2 =	seq.s32 @!p0 s5, $0x0  }
0x1f: {  	s9 =	smul.u32 $0xF7A, s1;
	s8 =	simm.s32 @!p0 $0x1BF5;
	p2 =	por !p2, p0  }
0x20: {  	[sflag:s8] =	ssyncset.s32 @!p0 $0xFFFFF086;
	s6 =	sadd.s32 @!p0 s3, s7;
	s7 =	simm.s32 @!p0 $0x108  }
0x21: {  	s3 =	sadd.s32 s3, s9;
	s6 =	sadd.s32 @!p0 $0x88, s6;
	s7 =	simm.s32 @p2 $0x1082  }
0x22: {  	[simem:s7], [sflag:s8] =	dma.local @!p0 [hbm:s6], $0xF7A  }
0x23: {  	s9 =	sor.u32 $0xD0000000, s2;
	s6 =	simm.s32 $0x108;
	_ =	swait.ge @!p0 [sflag:s8], $0x0  }
0x24: {  	s3 =	sadd.s32 $0x88, s3;
	s6 =	simm.s32 @!p1 $0x1082;
	[sflag:s4] =	ssyncset.s32 $0xFFFFF086  }
0x25: {  	[simem:s6], [sflag:s4] =	dma.local [hbm:s3], $0xF7A  }
0x26: {  	[smem:$0x3F99] =	sst s1;
	(tag) =	ssettag s2;
	_ =	strace s9  }
0x27: {  	s1 =	sld [smem:$0x3FA9]  }
0x28: {  	s2 =	sld [smem:$0x3FAA]  }
0x29: {  	s4 =	sld [smem:$0x3FAC]  }
0x2a: {  	p0 =	seq.s32 s5, $0x0;
	s5 =	sld [smem:$0x3FAD]  }
0x2b: {  	s6 =	sld [smem:$0x3FAE]  }
0x2c: {  	s7 =	sld [smem:$0x3FAF]  }
0x2d: {  	s3 =	simm.s32 $0x108;
	s8 =	sld [smem:$0x3FB0]  }
0x2e: {  	s3 =	simm.s32 @!p0 $0x1082;
	s9 =	sld [smem:$0x3FB1]  }
0x2f: {  	lr =	sadd.s32 s0, s3;
	s0 =	sld [smem:$0x3FA8]  }
0x30: {  	s3 =	sld [smem:$0x3FAB]  }
0x31: {  	[smem:$0x3FB4] =	sst s10  }
0x32: {  	s10 =	sld [smem:$0x3FB2];
	_ =	sdelay $0x3  }
0x33: {  	p0 =	seq.s32 s10, $0x1;
	s10 =	sld [smem:$0x3FB4];
	_ =	sdelay $0x3  }
0x34: {  	[smem:$0x3FB4] =	sst s10  }
0x35: {  	s10 =	sld [smem:$0x3FB3];
	_ =	sdelay $0x3  }
0x36: {  	p1 =	seq.s32 s10, $0x1;
	s10 =	sld [smem:$0x3FB4];
	_ =	sdelay $0x3  }
0x37: {  	[smem:$0x3FB4] =	sst s10  }
0x38: {  	s10 =	sld [smem:$0x3FB5]  }
0x39: {  	_ = 	snop;
	(pc) =	sbr.ind lr, $3  }
0x3a: {  	_ = 	snop  }
0x3b: {  	_ = 	snop  }
0x3c: {  	p2 =	seq.s32 s10, $0x1;
	s10 =	sld [smem:$0x3FB4]  }
0x3d: {  	_ =	shalt  }
0x3e: {  	_ =	shalt  }
0x3f: {  	_ =	shalt  }
0x40: {  	_ =	shalt  }
0x41: {  	_ =	shalt  }
0x42: {  	_ =	shalt  }
0x43: {  	_ =	shalt  }
0x44: {  	_ =	shalt  }
0x45: {  	_ =	shalt  }
0x46: {  	_ =	shalt  }
0x47: {  	_ =	shalt  }
0x48: {  	_ =	shalt  }
0x49: {  	_ =	shalt  }
0x4a: {  	_ =	shalt  }
0x4b: {  	_ =	shalt  }
0x4c: {  	_ =	shalt  }
0x4d: {  	_ =	shalt  }
0x4e: {  	_ =	shalt  }
0x4f: {  	_ =	shalt  }
0x50: {  	_ =	shalt  }
0x51: {  	_ =	shalt  }
0x52: {  	_ =	shalt  }
0x53: {  	_ =	shalt  }
0x54: {  	_ =	shalt  }
0x55: {  	_ =	shalt  }
0x56: {  	_ =	shalt  }
0x57: {  	_ =	shalt  }
0x58: {  	_ =	shalt  }
0x59: {  	_ =	shalt  }
0x5a: {  	_ =	shalt  }
0x5b: {  	_ =	shalt  }
0x5c: {  	_ =	shalt  }
0x5d: {  	_ =	shalt  }
0x5e: {  	_ =	shalt  }
0x5f: {  	_ =	shalt  }
0x60: {  	_ =	shalt  }
0x61: {  	_ =	shalt  }
0x62: {  	_ =	shalt  }
0x63: {  	_ =	shalt  }
0x64: {  	_ =	shalt  }
0x65: {  	_ =	shalt  }
0x66: {  	_ =	shalt  }
0x67: {  	_ =	shalt  }
0x68: {  	_ =	shalt  }
0x69: {  	_ =	shalt  }
0x6a: {  	_ =	shalt  }
0x6b: {  	_ =	shalt  }
0x6c: {  	_ =	shalt  }
0x6d: {  	_ =	shalt  }
0x6e: {  	_ =	shalt  }
0x6f: {  	_ =	shalt  }
0x70: {  	_ =	shalt  }
0x71: {  	_ =	shalt  }
0x72: {  	_ =	shalt  }
0x73: {  	_ =	shalt  }
0x74: {  	_ =	shalt  }
0x75: {  	_ =	shalt  }
0x76: {  	_ =	shalt  }
0x77: {  	_ =	shalt  }
0x78: {  	_ =	shalt  }
0x79: {  	_ =	shalt  }
0x7a: {  	_ =	shalt  }
0x7b: {  	_ =	shalt  }
0x7c: {  	_ =	shalt  }
0x7d: {  	_ =	shalt  }
0x7e: {  	_ =	shalt  }
0x7f: {  	_ =	shalt  }
0x80: {  	_ =	shalt  }
0x81: {  	_ =	shalt  }
0x82: {  	_ =	shalt  }
0x83: {  	_ =	shalt  }
0x84: {  	_ =	shalt  }
0x85: {  	_ =	shalt  }
0x86: {  	_ =	shalt  }
0x87: {  	_ =	shalt  }
.Lfunc_end0:
.L_simem_size_0:
called_computation_lowered:
.L_overlay_start_0:
0x88: {  	s2 =	sld [smem:$0x3FD9]  }
0x89: {  	s3 =	sld [smem:$0x3FFE];
	_ =	sdelay $0x1  }
0x8a: {  	s1 =	srdreg.scid  }
0x8b: {  	s0 =	sand.u32 $0x1, s1  }
0x8c: {  	s17 =	sshll.u32 s0, $0xA;
	s2 =	sadd.s32 s3, s2  }
0x8d: {  	s2 =	sadd.s32 s2, s17  }
0x8e: {  	[smem:$0x3FC0] =	sst s2  }
0x8f: {  	_ = 	snop  }
0x90: {  	s2 =	sld [smem:$0x3FD0];
	(tm) =	ssettm $0x1  }
0x91: {  	s18 =	sld [smem:$0x3FFB];
	_ =	sdelay $0x3  }
0x92: {  	_ =	strace s18  }
0x93: {  	s3 =	sld [smem:$0x3FFC];
	_ =	sdelay $0x3  }
0x94: {  	_ =	strace s3  }
0x95: {  	s3 =	sld [smem:$0x3FFD];
	_ =	sdelay $0x3  }
0x96: {  	_ =	strace s3  }
0x97: {  	_ =	strace $0x8FFFFFFF  }
0x98: {  	s19 =	sld [smem:$0x3FDB];
	_ =	sdelay $0x1  }
0x99: {  	s4 =	simm.s32 $_scs_section_size  }
0x9a: {  	s5 =	simm.s32 $_size__tile_overlayer_lowered;
	s6 =	simm.s32 $_tile_overlayer_lowered  }
0x9b: {  	s22 =	simm.s32 $0x1BFF;
	s21 =	sshll.u32 s6, $0x1;
	s3 =	sadd.s32 s4, s19  }
0x9c: {  	s7 =	simm.s32 $0x0;
	s20 =	sshll.u32 s5, $0x1;
	s5 =	sadd.s32 s21, s3  }
0x9d: {  	[timem:s7], [sflag:s22] =	dma.local [hbm:s5], s20  }
0x9e: {  	_ =	swait.ge [sflag:s22], s20  }
0x9f: {  	s4 =	ssub.s32 $0x0, s20;
	[sflag:s22] =	ssyncset.done $0x0  }
0xa0: {  	[sflag:s22] =	ssyncadd.s32 s4;
	_ =	sdelay $0x1  }
0xa1: {  	s23 =	simm.s32 $0x1B8B  }
0xa2: {  	_ =	swait.ge [sflag:s23], $0x1  }
0xa3: {  	[sflag:s23] =	ssyncset.done $0x0  }
0xa4: {  	s25 =	simm.s32 $0x1B8E;
	s24 =	sld [smem:$0x3FFE];
	[sflag:s23] =	ssyncadd.s32 $0xFFFFFFFF  }
0xa5: {  	s26 =	simm.s32 $execute0_lowered;
	[smem:$0x3FD2] =	sst s25  }
0xa6: {  	s5 =	sshll.u32 s26, $0x1;
	_ =	strace $0x80000046;
	[dreg:$0x1] =	wrdreg $0xFFFFFFFF  }
0xa7: {  	s28 =	simm.s32 $_size_execute0_lowered;
	s3 =	sadd.s32 s3, s5;
	[dreg:$0x0] =	wrdreg $0x0  }
0xa8: {  	s5 =	sshll.u32 s28, $0x1;
	[dreg:$0x2] =	wrdreg s3  }
0xa9: {  	[dreg:$0x3] =	wrdreg s5  }
0xaa: {  	[dreg:$0x4] =	wrdreg $0xC0  }
0xab: {  	_ =	task [dreg:s7], $0x5FFFF  }
0xac: {  	[dreg:$0x1] =	wrdreg $0xFFFFFFFF  }
0xad: {  	[dreg:$0x0] =	wrdreg $0x60  }
0xae: {  	[dreg:$0x2] =	wrdreg s24  }
0xaf: {  	[dreg:$0x3] =	wrdreg s2  }
0xb0: {  	[dreg:$0x4] =	wrdreg $0x9  }
0xb1: {  	_ =	task.clear_ibuf [dreg:s7], $0x5FFFF;
	_ =	strace $0x90000046  }
0xb2: {  	s29 =	simm.s32 $0x9;
	_ =	strace $0x80000048  }
0xb3: {  	_ =	swait.ge [sflag:s29], $0x1  }
0xb4: {  	[sflag:s29] =	ssyncadd.s32 $0xFFFFFFFF  }
0xb5: {  	_ =	strace $0x90000048  }
0xb6: {  	_ =	sfence  }
0xb7: {  	s30 =	sld [smem:$0x0];
	_ =	sdelay $0x2  }
0xb8: {  	s31 =	sshll.u32 s1, $0xD;
	s1 =	sshrl.u32 s1, $0x2  }
0xb9: {  	s3 =	sand.u32 $0x4000, s31;
	s1 =	sadd.s32 s1, s30  }
0xba: {  	s0 =	sor.u32 s3, s0;
	s1 =	sshll.u32 s1, $0x11  }
0xbb: {  	s0 =	sor.u32 s1, s0  }
0xbc: {  	s0 =	sadd.s32 $0x8F2B, s0  }
0xbd: {  	[sflag:s0] =	ssyncadd.remote.s32 $0x1  }
0xbe: {  	_ =	sfence.sel $0xFFFF  }
0xbf: {  	[dreg:$0x0] =	wrdreg $0xFFFFFFFF;
	(pc) =	sbr.abs _section_cstart, $3  }
0xc0: {  	[dreg:$0x1] =	wrdreg $0xFFFFFFFF  }
0xc1: {  	_ =	task.clear_ibuf [dreg:s7], $0x2FFFF;
	_ =	strace $0x9FFFFFFF  }
0xc2: {  	(tm) =	ssettm $0x7FFFFFFF  }
0xc3: {  	_ =	shalt  }
tec
execute0_lowered:
.L_overlay_start_1:
0x0: {  	(tag) =	ssettag $0x1  }
0x1: {  	s1 =	rddreg [dreg:$0x0]  }
0x2: {  	s0 =	rddreg [dreg:$0x1];
	s3 =	simm.s32 $0x0  }
0x3: {  	s2 =	srdreg.scid;
	s5 =	stileid.u32;
	s17 =	simm.s32 $0x3  }
0x4: {  	s29 =	simm.s32 $0x1880;
	s30 =	simm.s32 $0x2080;
	s31 =	simm.s32 $0x2880  }
0x5: {  	s19 =	simm.s32 $0x4880;
	s20 =	simm.s32 $0x5080;
	s21 =	simm.s32 $0x5880  }
0x6: {  	s18 =	simm.s32 $0x6080;
	s28 =	simm.s32 $0x7080;
	[smem:$0x7FF] =	sst s3  }
0x7: {  	s2 =	sand.u32 $0x1, s2;
	s5 =	sshll.u32 s5, $0x4;
	s11 =	sadd.s32 $0x180000, s1  }
0x8: {  	s7 =	sadd.s32 $0x400, s1;
	s8 =	sadd.s32 $0x500, s1;
	s9 =	sadd.s32 $0x600, s1  }
0x9: {  	s10 =	sadd.s32 $0x700, s1;
	s12 =	sadd.s32 $0x800, s1;
	s14 =	sadd.s32 $0xA00, s1  }
0xa: {  	s15 =	sadd.s32 $0xB00, s1;
	s4 =	ssub.s32 $0x2, s2;
	s2 =	sshll.u32 s2, $0x3  }
0xb: {  	_ =	strace $0x80000047;
	s6 =	sshrl.u32 s4, $0x1;
	s2 =	sor.u32 s2, s5  }
0xc: {  	s5 =	sadd.s32 $0x200, s1;
	s16 =	ssub.s32 s4, s6;
	s23 =	smul.u32 $0xC00, s2  }
0xd: {  	s0 =	sadd.s32 s0, s2;
	s4 =	sadd.s32 $0x100, s1;
	s2 =	smul.u32 $0x6000, s2  }
0xe: {  	s6 =	sadd.s32 $0x300, s1;
	[dreg:$0x3] =	wrdreg s0;
	s16 =	smax.u32 s16, $0x1  }
0xf: {  	s13 =	sadd.s32 s11, s23;
	s24 =	sshrl.u32 s2, $0x3;
	s23 =	simm.s32 $0x7880  }
0x10: {  	[dreg:$0x7] =	wrdreg s13;
	s25 =	sadd.s32 $0x1800, s13;
	s0 =	sadd.s32 s11, s24  }
0x11: {  	v2 =	vlaneseq.u32;
	s13 =	sadd.s32 $0x900, s1;
	[dreg:$0x4] =	wrdreg s25;
	s26 =	sadd.s32 $0x3000, s0  }
0x12: {  	vm0 =	vmmov $0xffff;
	v1 =	vshrl.u32 v2, $0x3;
	s1 =	simm.s32 $0xC080;
	s0 =	sadd.s32 $0x4800, s0;
	[dreg:$0x5] =	wrdreg s26  }
0x13: {  	v0 =	vand.u32 $0x7, v2;
	v2 =	vor.u32 $0x8, v2;
	v1 =	vmul.u32 $0x8, v1;
	s25 =	simm.s32 $0x880;
	[dreg:$0x6] =	wrdreg s0;
	s26 =	simm.s32 $0x1080  }
.LBB2_1:
0x14: {  	s24 =	rddreg [dreg:$0x3]  }
0x15: {  	[tilespmem:s3], [sflag:$0x3] =	stream.linear.gather [hbm4b:s24+s3], $0x40, $0x38;
	[tilespmem:$0x18080] =	vst v63  }
0x16: {  	_ =	swait.ge [sflag:s17], $0x40  }
0x17: {  	[sflag:s17] =	ssyncset.done $0x0  }
0x18: {  	[sflag:s17] =	ssyncadd.s32 $0xFFFFFFC0  }
0x19: {  	v3 =	vld [tilespmem:$0x0];
	_ =	sdelay $0x4  }
0x1a: {  	v4 =	vshrl.u32 v3, $0x3  }
0x1b: {  	v4 =	vmul.u32 $0xC0, v4  }
0x1c: {  	v3 =	vand.u32 $0x7, v3  }
0x1d: {  	v3 =	vor.u32 v3, v4  }
0x1e: {  	v4 =	vperm.xlane v3, v0;
	_ =	sdelay $0x1  }
0x1f: {  	v4 =	vadd.s32 v1, v4;
	_ =	sdelay $0x3  }
0x20: {  	s0 =	simm.s32 $0x80;
	s22 =	rddreg [dreg:$0x0]  }
0x21: {  	[tilespmem:s0], [sflag:$0x1] =	stream.indirect_vreg.gather [hbm4b:s22+s3], $0x80, v4, vm0, $0xb8;
	[tilespmem:$0x18080] =	vst v63  }
0x22: {  	_ = 	snop  }
0x23: {  	[tilespmem:s25], [sflag:$0x1] =	stream.indirect_vreg.gather [hbm4b:s4+s3], $0x80, v4, vm0, $0xb8;
	[tilespmem:$0x18080] =	vst v63  }
0x24: {  	_ = 	snop  }
0x25: {  	[tilespmem:s26], [sflag:$0x1] =	stream.indirect_vreg.gather [hbm4b:s5+s3], $0x80, v4, vm0, $0xb8;
	[tilespmem:$0x18080] =	vst v63  }
0x26: {  	_ = 	snop  }
0x27: {  	[tilespmem:s29], [sflag:$0x1] =	stream.indirect_vreg.gather [hbm4b:s6+s3], $0x80, v4, vm0, $0xb8;
	[tilespmem:$0x18080] =	vst v63  }
0x28: {  	_ = 	snop  }
0x29: {  	[tilespmem:s30], [sflag:$0x1] =	stream.indirect_vreg.gather [hbm4b:s7+s3], $0x80, v4, vm0, $0xb8;
	[tilespmem:$0x18080] =	vst v63  }
0x2a: {  	_ = 	snop  }
0x2b: {  	[tilespmem:s31], [sflag:$0x1] =	stream.indirect_vreg.gather [hbm4b:s8+s3], $0x80, v4, vm0, $0xb8;
	[tilespmem:$0x18080] =	vst v63  }
0x2c: {  	s24 =	simm.s32 $0x3080  }
0x2d: {  	[tilespmem:s24], [sflag:$0x1] =	stream.indirect_vreg.gather [hbm4b:s9+s3], $0x80, v4, vm0, $0xb8;
	[tilespmem:$0x18080] =	vst v63  }
0x2e: {  	s11 =	simm.s32 $0x3880  }
0x2f: {  	[tilespmem:s11], [sflag:$0x1] =	stream.indirect_vreg.gather [hbm4b:s10+s3], $0x80, v4, vm0, $0xb8;
	[tilespmem:$0x18080] =	vst v63  }
0x30: {  	s11 =	simm.s32 $0x4080  }
0x31: {  	[tilespmem:s11], [sflag:$0x1] =	stream.indirect_vreg.gather [hbm4b:s12+s3], $0x80, v4, vm0, $0xb8;
	[tilespmem:$0x18080] =	vst v63  }
0x32: {  	v3 =	vperm.xlane v3, v2  }
0x33: {  	[tilespmem:s19], [sflag:$0x1] =	stream.indirect_vreg.gather [hbm4b:s13+s3], $0x80, v4, vm0, $0xb8;
	[tilespmem:$0x18080] =	vst v63  }
0x34: {  	v3 =	vadd.s32 v1, v3  }
0x35: {  	[tilespmem:s20], [sflag:$0x1] =	stream.indirect_vreg.gather [hbm4b:s14+s3], $0x80, v4, vm0, $0xb8;
	[tilespmem:$0x18080] =	vst v63  }
0x36: {  	_ = 	snop  }
0x37: {  	[tilespmem:s21], [sflag:$0x1] =	stream.indirect_vreg.gather [hbm4b:s15+s3], $0x80, v4, vm0, $0xb8;
	[tilespmem:$0x18080] =	vst v63  }
0x38: {  	_ = 	snop  }
0x39: {  	[tilespmem:s18], [sflag:$0x1] =	stream.indirect_vreg.gather [hbm4b:s22+s3], $0x80, v3, vm0, $0xb8;
	[tilespmem:$0x18080] =	vst v63  }
0x3a: {  	s24 =	simm.s32 $0x6880  }
0x3b: {  	[tilespmem:s24], [sflag:$0x1] =	stream.indirect_vreg.gather [hbm4b:s4+s3], $0x80, v3, vm0, $0xb8;
	[tilespmem:$0x18080] =	vst v63  }
0x3c: {  	_ = 	snop  }
0x3d: {  	[tilespmem:s28], [sflag:$0x1] =	stream.indirect_vreg.gather [hbm4b:s5+s3], $0x80, v3, vm0, $0xb8;
	[tilespmem:$0x18080] =	vst v63  }
0x3e: {  	_ = 	snop  }
0x3f: {  	[tilespmem:s23], [sflag:$0x1] =	stream.indirect_vreg.gather [hbm4b:s6+s3], $0x80, v3, vm0, $0xb8;
	[tilespmem:$0x18080] =	vst v63  }
0x40: {  	s24 =	simm.s32 $0x8080  }
0x41: {  	[tilespmem:s24], [sflag:$0x1] =	stream.indirect_vreg.gather [hbm4b:s7+s3], $0x80, v3, vm0, $0xb8;
	[tilespmem:$0x18080] =	vst v63  }
0x42: {  	s24 =	simm.s32 $0x8880  }
0x43: {  	[tilespmem:s24], [sflag:$0x1] =	stream.indirect_vreg.gather [hbm4b:s8+s3], $0x80, v3, vm0, $0xb8;
	[tilespmem:$0x18080] =	vst v63  }
0x44: {  	s24 =	simm.s32 $0x9080  }
0x45: {  	[tilespmem:s24], [sflag:$0x1] =	stream.indirect_vreg.gather [hbm4b:s9+s3], $0x80, v3, vm0, $0xb8;
	[tilespmem:$0x18080] =	vst v63  }
0x46: {  	s24 =	simm.s32 $0x9880  }
0x47: {  	[tilespmem:s24], [sflag:$0x1] =	stream.indirect_vreg.gather [hbm4b:s10+s3], $0x80, v3, vm0, $0xb8;
	[tilespmem:$0x18080] =	vst v63  }
0x48: {  	s24 =	simm.s32 $0xA080  }
0x49: {  	[tilespmem:s24], [sflag:$0x1] =	stream.indirect_vreg.gather [hbm4b:s12+s3], $0x80, v3, vm0, $0xb8;
	[tilespmem:$0x18080] =	vst v63  }
0x4a: {  	s24 =	simm.s32 $0xA880  }
0x4b: {  	[tilespmem:s24], [sflag:$0x1] =	stream.indirect_vreg.gather [hbm4b:s13+s3], $0x80, v3, vm0, $0xb8;
	[tilespmem:$0x18080] =	vst v63  }
0x4c: {  	s24 =	simm.s32 $0xB080  }
0x4d: {  	[tilespmem:s24], [sflag:$0x1] =	stream.indirect_vreg.gather [hbm4b:s14+s3], $0x80, v3, vm0, $0xb8;
	[tilespmem:$0x18080] =	vst v63  }
0x4e: {  	s24 =	simm.s32 $0xB880  }
0x4f: {  	[tilespmem:s24], [sflag:$0x1] =	stream.indirect_vreg.gather [hbm4b:s15+s3], $0x80, v3, vm0, $0xb8;
	[tilespmem:$0x18080] =	vst v63  }
0x50: {  	v3 =	vld [tilespmem:$0x10];
	_ =	sdelay $0x4  }
0x51: {  	v61 =	vshrl.u32 v3, $0x3  }
0x52: {  	v4 =	vmul.u32 $0xC0, v61  }
0x53: {  	v3 =	vand.u32 $0x7, v3  }
0x54: {  	v3 =	vor.u32 v3, v4  }
0x55: {  	v4 =	vperm.xlane v3, v0;
	_ =	sdelay $0x1  }
0x56: {  	v4 =	vadd.s32 v1, v4;
	_ =	sdelay $0x4  }
0x57: {  	[tilespmem:s1], [sflag:$0x2] =	stream.indirect_vreg.gather [hbm4b:s22+s3], $0x80, v4, vm0, $0xb8;
	[tilespmem:$0x18080] =	vst v63  }
0x58: {  	s24 =	simm.s32 $0xC880  }
0x59: {  	[tilespmem:s24], [sflag:$0x2] =	stream.indirect_vreg.gather [hbm4b:s4+s3], $0x80, v4, vm0, $0xb8;
	[tilespmem:$0x18080] =	vst v63  }
0x5a: {  	s24 =	simm.s32 $0xD080  }
0x5b: {  	[tilespmem:s24], [sflag:$0x2] =	stream.indirect_vreg.gather [hbm4b:s5+s3], $0x80, v4, vm0, $0xb8;
	[tilespmem:$0x18080] =	vst v63  }
0x5c: {  	s24 =	simm.s32 $0xD880  }
0x5d: {  	[tilespmem:s24], [sflag:$0x2] =	stream.indirect_vreg.gather [hbm4b:s6+s3], $0x80, v4, vm0, $0xb8;
	[tilespmem:$0x18080] =	vst v63  }
0x5e: {  	s24 =	simm.s32 $0xE080  }
0x5f: {  	[tilespmem:s24], [sflag:$0x2] =	stream.indirect_vreg.gather [hbm4b:s7+s3], $0x80, v4, vm0, $0xb8;
	[tilespmem:$0x18080] =	vst v63  }
0x60: {  	s24 =	simm.s32 $0xE880  }
0x61: {  	[tilespmem:s24], [sflag:$0x2] =	stream.indirect_vreg.gather [hbm4b:s8+s3], $0x80, v4, vm0, $0xb8;
	[tilespmem:$0x18080] =	vst v63  }
0x62: {  	s24 =	simm.s32 $0xF080  }
0x63: {  	[tilespmem:s24], [sflag:$0x2] =	stream.indirect_vreg.gather [hbm4b:s9+s3], $0x80, v4, vm0, $0xb8;
	[tilespmem:$0x18080] =	vst v63  }
0x64: {  	s24 =	simm.s32 $0xF880  }
0x65: {  	[tilespmem:s24], [sflag:$0x2] =	stream.indirect_vreg.gather [hbm4b:s10+s3], $0x80, v4, vm0, $0xb8;
	[tilespmem:$0x18080] =	vst v63  }
0x66: {  	s24 =	simm.s32 $0x10080  }
0x67: {  	[tilespmem:s24], [sflag:$0x2] =	stream.indirect_vreg.gather [hbm4b:s12+s3], $0x80, v4, vm0, $0xb8;
	[tilespmem:$0x18080] =	vst v63  }
0x68: {  	v3 =	vperm.xlane v3, v2;
	s24 =	simm.s32 $0x10880  }
0x69: {  	[tilespmem:s24], [sflag:$0x2] =	stream.indirect_vreg.gather [hbm4b:s13+s3], $0x80, v4, vm0, $0xb8;
	[tilespmem:$0x18080] =	vst v63  }
0x6a: {  	v3 =	vadd.s32 v1, v3;
	s24 =	simm.s32 $0x11080  }
0x6b: {  	[tilespmem:s24], [sflag:$0x2] =	stream.indirect_vreg.gather [hbm4b:s14+s3], $0x80, v4, vm0, $0xb8;
	[tilespmem:$0x18080] =	vst v63  }
0x6c: {  	s24 =	simm.s32 $0x11880  }
0x6d: {  	[tilespmem:s24], [sflag:$0x2] =	stream.indirect_vreg.gather [hbm4b:s15+s3], $0x80, v4, vm0, $0xb8;
	[tilespmem:$0x18080] =	vst v63  }
0x6e: {  	s24 =	simm.s32 $0x12080  }
0x6f: {  	[tilespmem:s24], [sflag:$0x2] =	stream.indirect_vreg.gather [hbm4b:s22+s3], $0x80, v3, vm0, $0xb8;
	[tilespmem:$0x18080] =	vst v63  }
0x70: {  	s24 =	simm.s32 $0x12880  }
0x71: {  	[tilespmem:s24], [sflag:$0x2] =	stream.indirect_vreg.gather [hbm4b:s4+s3], $0x80, v3, vm0, $0xb8;
	[tilespmem:$0x18080] =	vst v63  }
0x72: {  	s24 =	simm.s32 $0x13080  }
0x73: {  	[tilespmem:s24], [sflag:$0x2] =	stream.indirect_vreg.gather [hbm4b:s5+s3], $0x80, v3, vm0, $0xb8;
	[tilespmem:$0x18080] =	vst v63  }
0x74: {  	s24 =	simm.s32 $0x13880  }
0x75: {  	[tilespmem:s24], [sflag:$0x2] =	stream.indirect_vreg.gather [hbm4b:s6+s3], $0x80, v3, vm0, $0xb8;
	[tilespmem:$0x18080] =	vst v63  }
0x76: {  	s24 =	simm.s32 $0x14080  }
0x77: {  	[tilespmem:s24], [sflag:$0x2] =	stream.indirect_vreg.gather [hbm4b:s7+s3], $0x80, v3, vm0, $0xb8;
	[tilespmem:$0x18080] =	vst v63  }
0x78: {  	s24 =	simm.s32 $0x14880  }
0x79: {  	[tilespmem:s24], [sflag:$0x2] =	stream.indirect_vreg.gather [hbm4b:s8+s3], $0x80, v3, vm0, $0xb8;
	[tilespmem:$0x18080] =	vst v63  }
0x7a: {  	s24 =	simm.s32 $0x15080  }
0x7b: {  	[tilespmem:s24], [sflag:$0x2] =	stream.indirect_vreg.gather [hbm4b:s9+s3], $0x80, v3, vm0, $0xb8;
	[tilespmem:$0x18080] =	vst v63  }
0x7c: {  	s24 =	simm.s32 $0x15880  }
0x7d: {  	[tilespmem:s24], [sflag:$0x2] =	stream.indirect_vreg.gather [hbm4b:s10+s3], $0x80, v3, vm0, $0xb8;
	[tilespmem:$0x18080] =	vst v63  }
0x7e: {  	s24 =	simm.s32 $0x16080  }
0x7f: {  	[tilespmem:s24], [sflag:$0x2] =	stream.indirect_vreg.gather [hbm4b:s12+s3], $0x80, v3, vm0, $0xb8;
	[tilespmem:$0x18080] =	vst v63  }
0x80: {  	s24 =	simm.s32 $0x16880  }
0x81: {  	[tilespmem:s24], [sflag:$0x2] =	stream.indirect_vreg.gather [hbm4b:s13+s3], $0x80, v3, vm0, $0xb8;
	[tilespmem:$0x18080] =	vst v63  }
0x82: {  	s24 =	simm.s32 $0x17080  }
0x83: {  	[tilespmem:s24], [sflag:$0x2] =	stream.indirect_vreg.gather [hbm4b:s14+s3], $0x80, v3, vm0, $0xb8;
	[tilespmem:$0x18080] =	vst v63  }
0x84: {  	s0 =	simm.s32 $0x1;
	s24 =	simm.s32 $0x17880  }
0x85: {  	[tilespmem:s24], [sflag:$0x2] =	stream.indirect_vreg.gather [hbm4b:s15+s3], $0x80, v3, vm0, $0xb8;
	[tilespmem:$0x18080] =	vst v63  }
0x86: {  	_ =	swait.ge [sflag:s0], $0xC000  }
0x87: {  	[sflag:s0] =	ssyncset.done $0x0  }
0x88: {  	s2 =	simm.s32 $0x80;
	s24 =	rddreg [dreg:$0x7];
	[sflag:s0] =	ssyncadd.s32 $0xFFFF4000  }
0x89: {  	[hbm4b:s24+s3] =	stream.linear.scatter [tilespmem:s2], [sflag:$0x3], $0xC000, $0x38;
	[tilespmem:$0x18080] =	vst v63  }
0x8a: {  	_ =	swait.ge [sflag:s17], $0xC000  }
0x8b: {  	[sflag:s17] =	ssyncset.done $0x0  }
0x8c: {  	[sflag:s17] =	ssyncadd.s32 $0xFFFF4000  }
0x8d: {  	v3 =	vld [tilespmem:$0x20];
	_ =	sdelay $0x4  }
0x8e: {  	v62 =	vshrl.u32 v3, $0x3  }
0x8f: {  	v4 =	vmul.u32 $0xC0, v62  }
0x90: {  	v3 =	vand.u32 $0x7, v3  }
0x91: {  	v3 =	vor.u32 v3, v4  }
0x92: {  	v4 =	vperm.xlane v3, v0;
	_ =	sdelay $0x1  }
0x93: {  	v4 =	vadd.s32 v1, v4;
	_ =	sdelay $0x4  }
0x94: {  	[tilespmem:s2], [sflag:$0x1] =	stream.indirect_vreg.gather [hbm4b:s22+s3], $0x80, v4, vm0, $0xb8;
	[tilespmem:$0x18080] =	vst v63  }
0x95: {  	_ = 	snop  }
0x96: {  	[tilespmem:s25], [sflag:$0x1] =	stream.indirect_vreg.gather [hbm4b:s4+s3], $0x80, v4, vm0, $0xb8;
	[tilespmem:$0x18080] =	vst v63  }
0x97: {  	_ = 	snop  }
0x98: {  	[tilespmem:s26], [sflag:$0x1] =	stream.indirect_vreg.gather [hbm4b:s5+s3], $0x80, v4, vm0, $0xb8;
	[tilespmem:$0x18080] =	vst v63  }
0x99: {  	_ = 	snop  }
0x9a: {  	[tilespmem:s29], [sflag:$0x1] =	stream.indirect_vreg.gather [hbm4b:s6+s3], $0x80, v4, vm0, $0xb8;
	[tilespmem:$0x18080] =	vst v63  }
0x9b: {  	_ = 	snop  }
0x9c: {  	[tilespmem:s30], [sflag:$0x1] =	stream.indirect_vreg.gather [hbm4b:s7+s3], $0x80, v4, vm0, $0xb8;
	[tilespmem:$0x18080] =	vst v63  }
0x9d: {  	_ = 	snop  }
0x9e: {  	[tilespmem:s31], [sflag:$0x1] =	stream.indirect_vreg.gather [hbm4b:s8+s3], $0x80, v4, vm0, $0xb8;
	[tilespmem:$0x18080] =	vst v63  }
0x9f: {  	s24 =	simm.s32 $0x3080  }
0xa0: {  	[tilespmem:s24], [sflag:$0x1] =	stream.indirect_vreg.gather [hbm4b:s9+s3], $0x80, v4, vm0, $0xb8;
	[tilespmem:$0x18080] =	vst v63  }
0xa1: {  	s24 =	simm.s32 $0x3880  }
0xa2: {  	[tilespmem:s24], [sflag:$0x1] =	stream.indirect_vreg.gather [hbm4b:s10+s3], $0x80, v4, vm0, $0xb8;
	[tilespmem:$0x18080] =	vst v63  }
0xa3: {  	_ = 	snop  }
0xa4: {  	[tilespmem:s11], [sflag:$0x1] =	stream.indirect_vreg.gather [hbm4b:s12+s3], $0x80, v4, vm0, $0xb8;
	[tilespmem:$0x18080] =	vst v63  }
0xa5: {  	v3 =	vperm.xlane v3, v2  }
0xa6: {  	[tilespmem:s19], [sflag:$0x1] =	stream.indirect_vreg.gather [hbm4b:s13+s3], $0x80, v4, vm0, $0xb8;
	[tilespmem:$0x18080] =	vst v63  }
0xa7: {  	v3 =	vadd.s32 v1, v3  }
0xa8: {  	[tilespmem:s20], [sflag:$0x1] =	stream.indirect_vreg.gather [hbm4b:s14+s3], $0x80, v4, vm0, $0xb8;
	[tilespmem:$0x18080] =	vst v63  }
0xa9: {  	_ = 	snop  }
0xaa: {  	[tilespmem:s21], [sflag:$0x1] =	stream.indirect_vreg.gather [hbm4b:s15+s3], $0x80, v4, vm0, $0xb8;
	[tilespmem:$0x18080] =	vst v63  }
0xab: {  	_ = 	snop  }
0xac: {  	[tilespmem:s18], [sflag:$0x1] =	stream.indirect_vreg.gather [hbm4b:s22+s3], $0x80, v3, vm0, $0xb8;
	[tilespmem:$0x18080] =	vst v63  }
0xad: {  	s24 =	simm.s32 $0x6880  }
0xae: {  	[tilespmem:s24], [sflag:$0x1] =	stream.indirect_vreg.gather [hbm4b:s4+s3], $0x80, v3, vm0, $0xb8;
	[tilespmem:$0x18080] =	vst v63  }
0xaf: {  	_ = 	snop  }
0xb0: {  	[tilespmem:s28], [sflag:$0x1] =	stream.indirect_vreg.gather [hbm4b:s5+s3], $0x80, v3, vm0, $0xb8;
	[tilespmem:$0x18080] =	vst v63  }
0xb1: {  	_ = 	snop  }
0xb2: {  	[tilespmem:s23], [sflag:$0x1] =	stream.indirect_vreg.gather [hbm4b:s6+s3], $0x80, v3, vm0, $0xb8;
	[tilespmem:$0x18080] =	vst v63  }
0xb3: {  	s11 =	simm.s32 $0x8080  }
0xb4: {  	[tilespmem:s11], [sflag:$0x1] =	stream.indirect_vreg.gather [hbm4b:s7+s3], $0x80, v3, vm0, $0xb8;
	[tilespmem:$0x18080] =	vst v63  }
0xb5: {  	s24 =	simm.s32 $0x8880  }
0xb6: {  	[tilespmem:s24], [sflag:$0x1] =	stream.indirect_vreg.gather [hbm4b:s8+s3], $0x80, v3, vm0, $0xb8;
	[tilespmem:$0x18080] =	vst v63  }
0xb7: {  	s11 =	simm.s32 $0x9080  }
0xb8: {  	[tilespmem:s11], [sflag:$0x1] =	stream.indirect_vreg.gather [hbm4b:s9+s3], $0x80, v3, vm0, $0xb8;
	[tilespmem:$0x18080] =	vst v63  }
0xb9: {  	s24 =	simm.s32 $0x9880  }
0xba: {  	[tilespmem:s24], [sflag:$0x1] =	stream.indirect_vreg.gather [hbm4b:s10+s3], $0x80, v3, vm0, $0xb8;
	[tilespmem:$0x18080] =	vst v63  }
0xbb: {  	s11 =	simm.s32 $0xA080  }
0xbc: {  	[tilespmem:s11], [sflag:$0x1] =	stream.indirect_vreg.gather [hbm4b:s12+s3], $0x80, v3, vm0, $0xb8;
	[tilespmem:$0x18080] =	vst v63  }
0xbd: {  	s24 =	simm.s32 $0xA880  }
0xbe: {  	[tilespmem:s24], [sflag:$0x1] =	stream.indirect_vreg.gather [hbm4b:s13+s3], $0x80, v3, vm0, $0xb8;
	[tilespmem:$0x18080] =	vst v63  }
0xbf: {  	s11 =	simm.s32 $0xB080  }
0xc0: {  	[tilespmem:s11], [sflag:$0x1] =	stream.indirect_vreg.gather [hbm4b:s14+s3], $0x80, v3, vm0, $0xb8;
	[tilespmem:$0x18080] =	vst v63  }
0xc1: {  	s2 =	simm.s32 $0x2;
	s24 =	simm.s32 $0xB880  }
0xc2: {  	[tilespmem:s24], [sflag:$0x1] =	stream.indirect_vreg.gather [hbm4b:s15+s3], $0x80, v3, vm0, $0xb8;
	[tilespmem:$0x18080] =	vst v63  }
0xc3: {  	_ =	swait.ge [sflag:s2], $0xC000  }
0xc4: {  	[sflag:s2] =	ssyncset.done $0x0  }
0xc5: {  	s11 =	rddreg [dreg:$0x4];
	[sflag:s2] =	ssyncadd.s32 $0xFFFF4000  }
0xc6: {  	[hbm4b:s11+s3] =	stream.linear.scatter [tilespmem:s1], [sflag:$0x3], $0xC000, $0x38;
	[tilespmem:$0x18080] =	vst v63  }
0xc7: {  	_ =	swait.ge [sflag:s17], $0xC000  }
0xc8: {  	[sflag:s17] =	ssyncset.done $0x0  }
0xc9: {  	[sflag:s17] =	ssyncadd.s32 $0xFFFF4000  }
0xca: {  	v3 =	vld [tilespmem:$0x30];
	_ =	sdelay $0x4  }
0xcb: {  	v63 =	vshrl.u32 v3, $0x3  }
0xcc: {  	v4 =	vmul.u32 $0xC0, v63  }
0xcd: {  	v3 =	vand.u32 $0x7, v3  }
0xce: {  	v3 =	vor.u32 v3, v4  }
0xcf: {  	v4 =	vperm.xlane v3, v0;
	_ =	sdelay $0x1  }
0xd0: {  	v4 =	vadd.s32 v1, v4;
	_ =	sdelay $0x4  }
0xd1: {  	[tilespmem:s1], [sflag:$0x2] =	stream.indirect_vreg.gather [hbm4b:s22+s3], $0x80, v4, vm0, $0xb8;
	[tilespmem:$0x18080] =	vst v63  }
0xd2: {  	s24 =	simm.s32 $0xC880  }
0xd3: {  	[tilespmem:s24], [sflag:$0x2] =	stream.indirect_vreg.gather [hbm4b:s4+s3], $0x80, v4, vm0, $0xb8;
	[tilespmem:$0x18080] =	vst v63  }
0xd4: {  	s24 =	simm.s32 $0xD080  }
0xd5: {  	[tilespmem:s24], [sflag:$0x2] =	stream.indirect_vreg.gather [hbm4b:s5+s3], $0x80, v4, vm0, $0xb8;
	[tilespmem:$0x18080] =	vst v63  }
0xd6: {  	s24 =	simm.s32 $0xD880  }
0xd7: {  	[tilespmem:s24], [sflag:$0x2] =	stream.indirect_vreg.gather [hbm4b:s6+s3], $0x80, v4, vm0, $0xb8;
	[tilespmem:$0x18080] =	vst v63  }
0xd8: {  	s24 =	simm.s32 $0xE080  }
0xd9: {  	[tilespmem:s24], [sflag:$0x2] =	stream.indirect_vreg.gather [hbm4b:s7+s3], $0x80, v4, vm0, $0xb8;
	[tilespmem:$0x18080] =	vst v63  }
0xda: {  	s24 =	simm.s32 $0xE880  }
0xdb: {  	[tilespmem:s24], [sflag:$0x2] =	stream.indirect_vreg.gather [hbm4b:s8+s3], $0x80, v4, vm0, $0xb8;
	[tilespmem:$0x18080] =	vst v63  }
0xdc: {  	s24 =	simm.s32 $0xF080  }
0xdd: {  	[tilespmem:s24], [sflag:$0x2] =	stream.indirect_vreg.gather [hbm4b:s9+s3], $0x80, v4, vm0, $0xb8;
	[tilespmem:$0x18080] =	vst v63  }
0xde: {  	s24 =	simm.s32 $0xF880  }
0xdf: {  	[tilespmem:s24], [sflag:$0x2] =	stream.indirect_vreg.gather [hbm4b:s10+s3], $0x80, v4, vm0, $0xb8;
	[tilespmem:$0x18080] =	vst v63  }
0xe0: {  	s24 =	simm.s32 $0x10080  }
0xe1: {  	[tilespmem:s24], [sflag:$0x2] =	stream.indirect_vreg.gather [hbm4b:s12+s3], $0x80, v4, vm0, $0xb8;
	[tilespmem:$0x18080] =	vst v63  }
0xe2: {  	v3 =	vperm.xlane v3, v2;
	s24 =	simm.s32 $0x10880  }
0xe3: {  	[tilespmem:s24], [sflag:$0x2] =	stream.indirect_vreg.gather [hbm4b:s13+s3], $0x80, v4, vm0, $0xb8;
	[tilespmem:$0x18080] =	vst v63  }
0xe4: {  	v3 =	vadd.s32 v1, v3;
	s24 =	simm.s32 $0x11080  }
0xe5: {  	[tilespmem:s24], [sflag:$0x2] =	stream.indirect_vreg.gather [hbm4b:s14+s3], $0x80, v4, vm0, $0xb8;
	[tilespmem:$0x18080] =	vst v63  }
0xe6: {  	s24 =	simm.s32 $0x11880  }
0xe7: {  	[tilespmem:s24], [sflag:$0x2] =	stream.indirect_vreg.gather [hbm4b:s15+s3], $0x80, v4, vm0, $0xb8;
	[tilespmem:$0x18080] =	vst v63  }
0xe8: {  	s24 =	simm.s32 $0x12080  }
0xe9: {  	[tilespmem:s24], [sflag:$0x2] =	stream.indirect_vreg.gather [hbm4b:s22+s3], $0x80, v3, vm0, $0xb8;
	[tilespmem:$0x18080] =	vst v63  }
0xea: {  	s24 =	simm.s32 $0x12880  }
0xeb: {  	[tilespmem:s24], [sflag:$0x2] =	stream.indirect_vreg.gather [hbm4b:s4+s3], $0x80, v3, vm0, $0xb8;
	[tilespmem:$0x18080] =	vst v63  }
0xec: {  	s22 =	simm.s32 $0x13080  }
0xed: {  	[tilespmem:s22], [sflag:$0x2] =	stream.indirect_vreg.gather [hbm4b:s5+s3], $0x80, v3, vm0, $0xb8;
	[tilespmem:$0x18080] =	vst v63  }
0xee: {  	s24 =	simm.s32 $0x13880  }
0xef: {  	[tilespmem:s24], [sflag:$0x2] =	stream.indirect_vreg.gather [hbm4b:s6+s3], $0x80, v3, vm0, $0xb8;
	[tilespmem:$0x18080] =	vst v63  }
0xf0: {  	s22 =	simm.s32 $0x14080  }
0xf1: {  	[tilespmem:s22], [sflag:$0x2] =	stream.indirect_vreg.gather [hbm4b:s7+s3], $0x80, v3, vm0, $0xb8;
	[tilespmem:$0x18080] =	vst v63  }
0xf2: {  	s24 =	simm.s32 $0x14880  }
0xf3: {  	[tilespmem:s24], [sflag:$0x2] =	stream.indirect_vreg.gather [hbm4b:s8+s3], $0x80, v3, vm0, $0xb8;
	[tilespmem:$0x18080] =	vst v63  }
0xf4: {  	s22 =	simm.s32 $0x15080  }
0xf5: {  	[tilespmem:s22], [sflag:$0x2] =	stream.indirect_vreg.gather [hbm4b:s9+s3], $0x80, v3, vm0, $0xb8;
	[tilespmem:$0x18080] =	vst v63  }
0xf6: {  	s24 =	simm.s32 $0x15880  }
0xf7: {  	[tilespmem:s24], [sflag:$0x2] =	stream.indirect_vreg.gather [hbm4b:s10+s3], $0x80, v3, vm0, $0xb8;
	[tilespmem:$0x18080] =	vst v63  }
0xf8: {  	s22 =	simm.s32 $0x16080  }
0xf9: {  	[tilespmem:s22], [sflag:$0x2] =	stream.indirect_vreg.gather [hbm4b:s12+s3], $0x80, v3, vm0, $0xb8;
	[tilespmem:$0x18080] =	vst v63  }
0xfa: {  	s24 =	simm.s32 $0x16880  }
0xfb: {  	[tilespmem:s24], [sflag:$0x2] =	stream.indirect_vreg.gather [hbm4b:s13+s3], $0x80, v3, vm0, $0xb8;
	[tilespmem:$0x18080] =	vst v63  }
0xfc: {  	s22 =	simm.s32 $0x17080  }
0xfd: {  	[tilespmem:s22], [sflag:$0x2] =	stream.indirect_vreg.gather [hbm4b:s14+s3], $0x80, v3, vm0, $0xb8;
	[tilespmem:$0x18080] =	vst v63  }
0xfe: {  	s24 =	simm.s32 $0x17880  }
0xff: {  	[tilespmem:s24], [sflag:$0x2] =	stream.indirect_vreg.gather [hbm4b:s15+s3], $0x80, v3, vm0, $0xb8;
	[tilespmem:$0x18080] =	vst v63  }
0x100: {  	_ =	swait.ge [sflag:s0], $0xC000  }
0x101: {  	[sflag:s0] =	ssyncset.done $0x0  }
0x102: {  	s11 =	simm.s32 $0x80;
	s22 =	rddreg [dreg:$0x5];
	[sflag:s0] =	ssyncadd.s32 $0xFFFF4000  }
0x103: {  	[hbm4b:s22+s3] =	stream.linear.scatter [tilespmem:s11], [sflag:$0x3], $0xC000, $0x38;
	[tilespmem:$0x18080] =	vst v63  }
0x104: {  	_ =	swait.ge [sflag:s17], $0xC000  }
0x105: {  	[sflag:s17] =	ssyncset.done $0x0  }
0x106: {  	[sflag:s17] =	ssyncadd.s32 $0xFFFF4000  }
0x107: {  	_ =	swait.ge [sflag:s2], $0xC000  }
0x108: {  	p0 =	sne.s32 s16, $0x1;
	[sflag:s2] =	ssyncset.done $0x0  }
.Ltmp0:
0x109: {  	s22 =	rddreg [dreg:$0x6];
	[sflag:s2] =	ssyncadd.s32 $0xFFFF4000;
	(pc) =	sbr.rel @p0 .LBB2_1-.Ltmp0, $4  }
0x10a: {  	[hbm4b:s22+s3] =	stream.linear.scatter [tilespmem:s1], [sflag:$0x3], $0xC000, $0x38;
	[tilespmem:$0x18080] =	vst v63  }
0x10b: {  	_ =	swait.ge [sflag:s17], $0xC000  }
0x10c: {  	[sflag:s17] =	ssyncset.done $0x0  }
0x10d: {  	s16 =	sadd.s32 $0xFFFFFFFF, s16;
	[sflag:s17] =	ssyncadd.s32 $0xFFFF4000  }
0x10e: {  	_ =	sfence.sel $0x180000  }
0x10f: {  	[bflag:$0x0] =	sbarrier.arrive $0xFFFF  }
0x110: {  	_ =	strace $0x90000047  }
0x111: {  	s0 =	stileid.u32;
	[bflag:$0x2] =	sbarrier.arrive $0xFFFF  }
0x112: {  	p0 =	sne.s32 s0, $0x0;
	s0 =	rddreg [dreg:$0x2]  }
0x113: {  	s0 =	sadd.s32 @!p0 $0x100000, s0  }
0x114: {  	[sflag:s0] =	ssyncadd.tile.s32 @!p0 $0x1;
	_ =	shalt  }
.Lfunc_end2:
_tile_overlayer_lowered:
.L_overlay_start_2:
0x115: {  	(tag) =	ssettag $0x2  }
0x116: {  	s0 =	rddreg [dreg:$0x0];
	s2 =	stileid.u32  }
0x117: {  	s1 =	rddreg [dreg:$0x1];
	p0 =	sne.s32 s2, $0x0  }
0x118: {  	s3 =	rddreg [dreg:$0x2];
	[bflag:$0x3] =	sbarrier.arrive $0xFFFF;
	s2 =	simm.s32 @!p0 $0x1C03  }
0x119: {  	[timem:s3], [sflag:s2] =	dma.local @!p0 [hbm:s0], s1  }
0x11a: {  	s0 =	simm.s32 @!p0 $0x3  }
0x11b: {  	_ =	swait.ge @!p0 [sflag:s0], s1  }
0x11c: {  	s1 =	ssub.s32 @!p0 $0x0, s1;
	[sflag:s0] =	ssyncset.done @!p0 $0x0  }
0x11d: {  	[sflag:s0] =	ssyncadd.s32 @!p0 s1  }
0x11e: {  	[bflag:$0x3] =	sbarrier.arrive $0xFFFF  }
0x11f: {  	_ =	shalt  }

</sc_bundles>
